<compile_context>
chip_gen: v7x
topology: tpu7x:2x2x1
jax: 0.10.2.dev20260603
libtpu: 0.0.44.dev20260713+nightly
codegen_flags: <defaults>
</compile_context>

<pallas_src>
import functools

import jax
import jax.numpy as jnp
import numpy as np
from jax import lax
from jax.experimental import pallas as pl
from jax.experimental.pallas import tpu as pltpu
from jax.experimental.pallas import tpu_sc as plsc

_N_CHUNK = 16
_MAX_MASK_LEN = 512
_SCALE_LOW = 0.5
_SCALE_HIGH = 1.5
_B, _L = 128, 8192

_ROT = ((13, 15, 26, 6), (17, 29, 16, 24))


def _threefry2x32(k0, k1, x0, x1):
    k0 = np.uint32(k0)
    k1 = np.uint32(k1)
    ks = (k0, k1, np.uint32(k0 ^ k1 ^ np.uint32(0x1BD11BDA)))
    x0 = (x0 + k0).astype(np.uint32)
    x1 = (x1 + k1).astype(np.uint32)
    for i in range(5):
        for r in _ROT[i % 2]:
            x0 = (x0 + x1).astype(np.uint32)
            x1 = ((x1 << np.uint32(r)) | (x1 >> np.uint32(32 - r))).astype(np.uint32)
            x1 = x1 ^ x0
        x0 = (x0 + ks[(i + 1) % 3]).astype(np.uint32)
        x1 = (x1 + ks[(i + 2) % 3] + np.uint32(i + 1)).astype(np.uint32)
    return x0, x1


def _rng_bits(keypair, size):
    x1 = np.arange(size, dtype=np.uint32)
    x0 = np.zeros(size, dtype=np.uint32)
    b1, b2 = _threefry2x32(keypair[0], keypair[1], x0, x1)
    return b1 ^ b2


def _rng_split(keypair, n):
    x1 = np.arange(n, dtype=np.uint32)
    x0 = np.zeros(n, dtype=np.uint32)
    b1, b2 = _threefry2x32(keypair[0], keypair[1], x0, x1)
    return np.stack([b1, b2], axis=1)


def _rng_randint(keypair, shape, minval, maxval):
    size = int(np.prod(shape))
    sub = _rng_split(keypair, 2)
    hi = _rng_bits(sub[0], size)
    lo = _rng_bits(sub[1], size)
    span = np.uint32(maxval - minval)
    mult = np.uint32((np.uint32(np.uint32(65536) % span) ** 2) % span)
    r = ((hi % span) * mult + (lo % span)) % span
    return (np.int32(minval) + r.astype(np.int32)).reshape(shape)


def _rng_uniform01(keypair, shape):
    size = int(np.prod(shape))
    bits = _rng_bits(keypair, size)
    f = ((bits >> np.uint32(9)) | np.uint32(0x3F800000)).view(np.float32)
    return (f - np.float32(1.0)).reshape(shape)


@functools.lru_cache(maxsize=1)
def _eff_scale() -> np.ndarray:
    with np.errstate(over="ignore"):
        root = np.array([0, 42], dtype=np.uint32)
        k1, k2, k3 = _rng_split(root, 3)
        mask_lengths = _rng_randint(k1, (_B, _N_CHUNK), 1, _MAX_MASK_LEN + 1)
        mask_starts = _rng_randint(k2, (_B, _N_CHUNK), 0, _L)
        u = _rng_uniform01(k3, (_B, _L))
    idx = np.arange(_L)[None, None, :]
    starts = mask_starts[:, :, None]
    ends = starts + mask_lengths[:, :, None]
    chunk = ((idx >= starts) & (idx < ends)).any(axis=1)
    scale = u * np.float32(_SCALE_HIGH - _SCALE_LOW) + np.float32(_SCALE_LOW)
    eff = np.where(chunk, scale, np.float32(1.0)).astype(np.float32)
    import ml_dtypes
    return eff.astype(ml_dtypes.bfloat16)


def _body(eff_ref, p_ref, y_ref, x_ref, t_ref, v_ref,
          p_o, y_o, x_o, t_o, v_o):
    p_o[...] = p_ref[...]
    y_o[...] = y_ref[...]
    x_o[...] = x_ref[...]
    v = v_ref[...]
    v_o[...] = v
    t = t_ref[...]
    t_o[...] = jnp.where(v, t * eff_ref[...].astype(jnp.float32), t)


def _sc_copy(target):
    mesh = plsc.VectorSubcoreMesh(core_axis_name="c", subcore_axis_name="s")
    rows = _B // 32

    @functools.partial(
        pl.kernel,
        out_type=jax.ShapeDtypeStruct((_B, _L), jnp.float32),
        mesh=mesh,
        scratch_types=[pltpu.VMEM((rows, _L), jnp.float32),
                       pltpu.SemaphoreType.DMA,
                       pltpu.SemaphoreType.DMA],
    )
    def body(tg_hbm, tg_out, buf_b, s0, s1):
        wid = lax.axis_index("s") * 2 + lax.axis_index("c")
        base = wid * rows
        ht = pltpu.async_copy(tg_hbm.at[pl.ds(base, rows)], buf_b, s0)
        ht.wait()
        wt = pltpu.async_copy(buf_b, tg_out.at[pl.ds(base, rows)], s1)
        wt.wait()

    return body(target)


def kernel(p, y, x, t, valid_mask, target):
    eff = jnp.asarray(_eff_scale())
    tg_o = _sc_copy(target)
    blk_r = 64
    grid = (_B // blk_r,)
    spec = pl.BlockSpec((blk_r, _L), lambda i: (i, 0))
    outs = pl.pallas_call(
        _body,
        grid=grid,
        in_specs=[spec] * 6,
        out_specs=[spec] * 5,
        out_shape=[
            jax.ShapeDtypeStruct((_B, _L), jnp.float32),
            jax.ShapeDtypeStruct((_B, _L), jnp.float32),
            jax.ShapeDtypeStruct((_B, _L), jnp.float32),
            jax.ShapeDtypeStruct((_B, _L), jnp.float32),
            jax.ShapeDtypeStruct((_B, _L), jnp.bool_),
        ],
    )(eff, p, y, x, t, valid_mask)
    p_o, y_o, x_o, t_new, v_o = outs
    return (p_o, y_o, x_o, t_new, v_o, tg_o)

# --- scband reference (transcript-rebuilt; emitter-appended) ---
"""Pipeline reference for scband-random-chunk-wrap-27238682591599 (READ-ONLY COPY).

The authoritative reference and input builder live on the scoring server;
editing this copy changes nothing except your own understanding.
"""

import jax, jax.numpy as jnp
import numpy as np

N_CHUNK = 16
MAX_MASK_LEN = 512
SCALE_LOW = 0.5
SCALE_HIGH = 1.5
B, L = 128, 8192


def setup_inputs(seed: int = 0) -> dict:
    key = jax.random.key(seed)
    ks = jax.random.split(key, 6)
    p = jax.random.normal(ks[0], (B, L), dtype=jnp.float32)
    y = jax.random.normal(ks[1], (B, L), dtype=jnp.float32)
    x = jax.random.normal(ks[2], (B, L), dtype=jnp.float32)
    t = jax.random.normal(ks[3], (B, L), dtype=jnp.float32)
    valid_mask = jax.random.randint(ks[4], (B, L), 0, 2).astype(bool)
    target = jax.random.normal(ks[5], (B, L), dtype=jnp.float32)
    return {"p": p, "y": y, "x": x, "t": t, "valid_mask": valid_mask, "target": target}


def reference(p, y, x, t, valid_mask, target):
    Bq, Lq = valid_mask.shape
    key = jax.random.key(42)
    k1, k2, k3 = jax.random.split(key, 3)
    # random chunk masks: starts and lengths per (batch, chunk)
    mask_lengths = jax.random.randint(k1, (Bq, N_CHUNK), 1, MAX_MASK_LEN + 1)
    mask_starts = jax.random.randint(k2, (Bq, N_CHUNK), 0, Lq)
    indices = jnp.arange(Lq)[None, None, :]
    starts = mask_starts[:, :, None]
    lengths = mask_lengths[:, :, None]
    ends = starts + lengths
    mask = (indices >= starts) & (indices < ends)
    mask = jnp.any(mask, axis=1)
    mask = valid_mask & mask
    # torch: t[mask] = t[mask] * scale  (scale ~ U[scale_low, scale_high))
    scale = jax.random.uniform(k3, t.shape, dtype=t.dtype) * (SCALE_HIGH - SCALE_LOW) + SCALE_LOW
    t_new = jnp.where(mask, t * scale, t)
    return (p, y, x, t_new, valid_mask, target)

if __name__ == "__main__":
    import jax
    _d = setup_inputs()
    print(jax.jit(kernel)(*tuple(_d.values())))

</pallas_src>

<mosaic_0001>
#map = affine_map<(d0, d1) -> (0, 0)>
module attributes {stable_mosaic.version = 14 : i64} {
  func.func @body(%arg0: i32, %arg1: i32, %arg2: memref<128x8192xf32, #tpu.memory_space<hbm>>, %arg3: memref<128x8192xf32, #tpu.memory_space<hbm>>, %arg4: memref<4x8192xf32, #tpu.memory_space<vmem>>, %arg5: memref<!tpu.dma_semaphore, #tpu.memory_space<semaphore_mem>>, %arg6: memref<!tpu.dma_semaphore, #tpu.memory_space<semaphore_mem>>) attributes {dimension_semantics = [#tpu.dimension_semantics<core_parallel>, #tpu.dimension_semantics<subcore_parallel>], iteration_bounds = array<i64: 2, 16>, scalar_prefetch = 0 : i64, scratch_operands = 3 : i64, tpu.core_type = #tpu.core_type<sc_vector_subcore>, window_params = [{transform_indices = #map}, {transform_indices = #map}]} {
    %mul3A = arith.constant 2 : i32
    %mul3A_0 = arith.muli %arg1, %mul3A : i32
    %add3A = arith.addi %mul3A_0, %arg0 : i32
    %mul3A_1 = arith.constant 4 : i32
    %mul3A_2 = arith.muli %add3A, %mul3A_1 : i32
    %dma_start3A = arith.constant 0 : i32
    %dma_start3A_3 = tpu.memref_slice %arg2[%mul3A_2, %dma_start3A] : memref<128x8192xf32, #tpu.memory_space<hbm>> -> memref<4x8192xf32, #tpu.memory_space<hbm>>
    %dma_start3A_4 = arith.constant 0 : i32
    %dma_start3A_5 = tpu.memref_slice %arg2[%mul3A_2, %dma_start3A_4] : memref<128x8192xf32, #tpu.memory_space<hbm>> -> memref<4x8192xf32, #tpu.memory_space<hbm>>
    tpu.enqueue_dma source(%dma_start3A_5 : memref<4x8192xf32, #tpu.memory_space<hbm>>) target(%arg4 : memref<4x8192xf32, #tpu.memory_space<vmem>>) target_semaphore(%arg5 : memref<!tpu.dma_semaphore, #tpu.memory_space<semaphore_mem>>)
    %dma_wait3A = arith.constant 0 : i32
    %dma_wait3A_6 = tpu.memref_slice %arg2[%mul3A_2, %dma_wait3A] : memref<128x8192xf32, #tpu.memory_space<hbm>> -> memref<4x8192xf32, #tpu.memory_space<hbm>>
    %dma_wait3A_7 = arith.constant 0 : i32
    %dma_wait3A_8 = tpu.memref_slice %arg2[%mul3A_2, %dma_wait3A_7] : memref<128x8192xf32, #tpu.memory_space<hbm>> -> memref<4x8192xf32, #tpu.memory_space<hbm>>
    tpu.wait_dma2 semaphore(%arg5 : memref<!tpu.dma_semaphore, #tpu.memory_space<semaphore_mem>>) src(%dma_wait3A_8 : memref<4x8192xf32, #tpu.memory_space<hbm>>) dst(%arg4 : memref<4x8192xf32, #tpu.memory_space<vmem>>)
    %dma_start3A_9 = arith.constant 0 : i32
    %dma_start3A_10 = tpu.memref_slice %arg3[%mul3A_2, %dma_start3A_9] : memref<128x8192xf32, #tpu.memory_space<hbm>> -> memref<4x8192xf32, #tpu.memory_space<hbm>>
    %dma_start3A_11 = arith.constant 0 : i32
    %dma_start3A_12 = tpu.memref_slice %arg3[%mul3A_2, %dma_start3A_11] : memref<128x8192xf32, #tpu.memory_space<hbm>> -> memref<4x8192xf32, #tpu.memory_space<hbm>>
    tpu.enqueue_dma source(%arg4 : memref<4x8192xf32, #tpu.memory_space<vmem>>) target(%dma_start3A_12 : memref<4x8192xf32, #tpu.memory_space<hbm>>) target_semaphore(%arg6 : memref<!tpu.dma_semaphore, #tpu.memory_space<semaphore_mem>>)
    %dma_wait3A_13 = arith.constant 0 : i32
    %dma_wait3A_14 = tpu.memref_slice %arg3[%mul3A_2, %dma_wait3A_13] : memref<128x8192xf32, #tpu.memory_space<hbm>> -> memref<4x8192xf32, #tpu.memory_space<hbm>>
    %dma_wait3A_15 = arith.constant 0 : i32
    %dma_wait3A_16 = tpu.memref_slice %arg3[%mul3A_2, %dma_wait3A_15] : memref<128x8192xf32, #tpu.memory_space<hbm>> -> memref<4x8192xf32, #tpu.memory_space<hbm>>
    tpu.wait_dma2 semaphore(%arg6 : memref<!tpu.dma_semaphore, #tpu.memory_space<semaphore_mem>>) src(%arg4 : memref<4x8192xf32, #tpu.memory_space<vmem>>) dst(%dma_wait3A_16 : memref<4x8192xf32, #tpu.memory_space<hbm>>)
    return
  }
}

module attributes {stable_mosaic.version = 14 : i64} {
  func.func @_body(%arg0: i32, %arg1: memref<64x8192xbf16, #tpu.memory_space<vmem>>, %arg2: memref<64x8192xf32, #tpu.memory_space<vmem>>, %arg3: memref<64x8192xf32, #tpu.memory_space<vmem>>, %arg4: memref<64x8192xf32, #tpu.memory_space<vmem>>, %arg5: memref<64x8192xf32, #tpu.memory_space<vmem>>, %arg6: memref<64x8192xi32, #tpu.memory_space<vmem>>, %arg7: memref<64x8192xf32, #tpu.memory_space<vmem>>, %arg8: memref<64x8192xf32, #tpu.memory_space<vmem>>, %arg9: memref<64x8192xf32, #tpu.memory_space<vmem>>, %arg10: memref<64x8192xf32, #tpu.memory_space<vmem>>, %arg11: memref<64x8192xi32, #tpu.memory_space<vmem>>) attributes {dimension_semantics = [#tpu.dimension_semantics<arbitrary>], iteration_bounds = array<i64: 2>, scalar_prefetch = 0 : i64, scratch_operands = 0 : i64, tpu.core_type = #tpu.core_type<tc>, window_params = [{transform_indices = @transform_0, window_bounds = array<i64: 64, 8192>}, {transform_indices = @transform_1, window_bounds = array<i64: 64, 8192>}, {transform_indices = @transform_2, window_bounds = array<i64: 64, 8192>}, {transform_indices = @transform_3, window_bounds = array<i64: 64, 8192>}, {transform_indices = @transform_4, window_bounds = array<i64: 64, 8192>}, {transform_indices = @transform_5, window_bounds = array<i64: 64, 8192>}, {transform_indices = @transform_6, window_bounds = array<i64: 64, 8192>}, {transform_indices = @transform_7, window_bounds = array<i64: 64, 8192>}, {transform_indices = @transform_8, window_bounds = array<i64: 64, 8192>}, {transform_indices = @transform_9, window_bounds = array<i64: 64, 8192>}, {transform_indices = @transform_10, window_bounds = array<i64: 64, 8192>}]} {
    %get3A = arith.constant 0 : index
    %get3A_0 = arith.constant 0 : index
    %get3A_1 = vector.load %arg2[%get3A, %get3A_0] : memref<64x8192xf32, #tpu.memory_space<vmem>>, vector<64x8192xf32>
    %swap3A = arith.constant 0 : index
    %swap3A_2 = arith.constant 0 : index
    %swap3A_3 = vector.load %arg7[%swap3A, %swap3A_2] : memref<64x8192xf32, #tpu.memory_space<vmem>>, vector<64x8192xf32>
    tpu.vector_store %arg7[%swap3A, %swap3A_2], %get3A_1 {strides = array<i32>} : memref<64x8192xf32, #tpu.memory_space<vmem>>, vector<64x8192xf32>,
    %get3A_4 = arith.constant 0 : index
    %get3A_5 = arith.constant 0 : index
    %get3A_6 = vector.load %arg3[%get3A_4, %get3A_5] : memref<64x8192xf32, #tpu.memory_space<vmem>>, vector<64x8192xf32>
    %swap3A_7 = arith.constant 0 : index
    %swap3A_8 = arith.constant 0 : index
    %swap3A_9 = vector.load %arg8[%swap3A_7, %swap3A_8] : memref<64x8192xf32, #tpu.memory_space<vmem>>, vector<64x8192xf32>
    tpu.vector_store %arg8[%swap3A_7, %swap3A_8], %get3A_6 {strides = array<i32>} : memref<64x8192xf32, #tpu.memory_space<vmem>>, vector<64x8192xf32>,
    %get3A_10 = arith.constant 0 : index
    %get3A_11 = arith.constant 0 : index
    %get3A_12 = vector.load %arg4[%get3A_10, %get3A_11] : memref<64x8192xf32, #tpu.memory_space<vmem>>, vector<64x8192xf32>
    %swap3A_13 = arith.constant 0 : index
    %swap3A_14 = arith.constant 0 : index
    %swap3A_15 = vector.load %arg9[%swap3A_13, %swap3A_14] : memref<64x8192xf32, #tpu.memory_space<vmem>>, vector<64x8192xf32>
    tpu.vector_store %arg9[%swap3A_13, %swap3A_14], %get3A_12 {strides = array<i32>} : memref<64x8192xf32, #tpu.memory_space<vmem>>, vector<64x8192xf32>,
    %get3A_16 = arith.constant 0 : index
    %get3A_17 = arith.constant 0 : index
    %get3A_18 = vector.load %arg6[%get3A_16, %get3A_17] : memref<64x8192xi32, #tpu.memory_space<vmem>>, vector<64x8192xi32>
    %get3A_19 = arith.constant dense<0> : vector<64x8192xi32>
    %get3A_20 = arith.cmpi ne, %get3A_18, %get3A_19 : vector<64x8192xi32>
    %swap3A_21 = arith.constant 0 : index
    %swap3A_22 = arith.constant 0 : index
    %swap3A_23 = vector.load %arg11[%swap3A_21, %swap3A_22] : memref<64x8192xi32, #tpu.memory_space<vmem>>, vector<64x8192xi32>
    %swap3A_24 = arith.extui %get3A_20 : vector<64x8192xi1> to vector<64x8192xi32>
    %swap3A_25 = arith.constant dense<0> : vector<64x8192xi32>
    %swap3A_26 = arith.cmpi ne, %swap3A_23, %swap3A_25 : vector<64x8192xi32>
    tpu.vector_store %arg11[%swap3A_21, %swap3A_22], %swap3A_24 {strides = array<i32>} : memref<64x8192xi32, #tpu.memory_space<vmem>>, vector<64x8192xi32>,
    %get3A_27 = arith.constant 0 : index
    %get3A_28 = arith.constant 0 : index
    %get3A_29 = vector.load %arg5[%get3A_27, %get3A_28] : memref<64x8192xf32, #tpu.memory_space<vmem>>, vector<64x8192xf32>
    %get3A_30 = arith.constant 0 : index
    %get3A_31 = arith.constant 0 : index
    %get3A_32 = vector.load %arg1[%get3A_30, %get3A_31] : memref<64x8192xbf16, #tpu.memory_space<vmem>>, vector<64x8192xbf16>
    %convert_element_type3A = arith.extf %get3A_32 : vector<64x8192xbf16> to vector<64x8192xf32>
    %mul3A = arith.mulf %get3A_29, %convert_element_type3A : vector<64x8192xf32>
    %select_n3A = arith.select %get3A_20, %mul3A, %get3A_29 : vector<64x8192xi1>, vector<64x8192xf32>
    %swap3A_33 = arith.constant 0 : index
    %swap3A_34 = arith.constant 0 : index
    %swap3A_35 = vector.load %arg10[%swap3A_33, %swap3A_34] : memref<64x8192xf32, #tpu.memory_space<vmem>>, vector<64x8192xf32>
    tpu.vector_store %arg10[%swap3A_33, %swap3A_34], %select_n3A {strides = array<i32>} : memref<64x8192xf32, #tpu.memory_space<vmem>>, vector<64x8192xf32>,
    return
  }
  func.func @transform_0(%arg0: i32) -> (i32, i32) {
    %c0_i32 = arith.constant 0 : i32
    %c0_i32_0 = arith.constant 0 : i32
    return %arg0, %c0_i32 : i32, i32
  }
  func.func @transform_1(%arg0: i32) -> (i32, i32) {
    %c0_i32 = arith.constant 0 : i32
    %c0_i32_0 = arith.constant 0 : i32
    return %arg0, %c0_i32 : i32, i32
  }
  func.func @transform_2(%arg0: i32) -> (i32, i32) {
    %c0_i32 = arith.constant 0 : i32
    %c0_i32_0 = arith.constant 0 : i32
    return %arg0, %c0_i32 : i32, i32
  }
  func.func @transform_3(%arg0: i32) -> (i32, i32) {
    %c0_i32 = arith.constant 0 : i32
    %c0_i32_0 = arith.constant 0 : i32
    return %arg0, %c0_i32 : i32, i32
  }
  func.func @transform_4(%arg0: i32) -> (i32, i32) {
    %c0_i32 = arith.constant 0 : i32
    %c0_i32_0 = arith.constant 0 : i32
    return %arg0, %c0_i32 : i32, i32
  }
  func.func @transform_5(%arg0: i32) -> (i32, i32) {
    %c0_i32 = arith.constant 0 : i32
    %c0_i32_0 = arith.constant 0 : i32
    return %arg0, %c0_i32 : i32, i32
  }
  func.func @transform_6(%arg0: i32) -> (i32, i32) {
    %c0_i32 = arith.constant 0 : i32
    %c0_i32_0 = arith.constant 0 : i32
    return %arg0, %c0_i32 : i32, i32
  }
  func.func @transform_7(%arg0: i32) -> (i32, i32) {
    %c0_i32 = arith.constant 0 : i32
    %c0_i32_0 = arith.constant 0 : i32
    return %arg0, %c0_i32 : i32, i32
  }
  func.func @transform_8(%arg0: i32) -> (i32, i32) {
    %c0_i32 = arith.constant 0 : i32
    %c0_i32_0 = arith.constant 0 : i32
    return %arg0, %c0_i32 : i32, i32
  }
  func.func @transform_9(%arg0: i32) -> (i32, i32) {
    %c0_i32 = arith.constant 0 : i32
    %c0_i32_0 = arith.constant 0 : i32
    return %arg0, %c0_i32 : i32, i32
  }
  func.func @transform_10(%arg0: i32) -> (i32, i32) {
    %c0_i32 = arith.constant 0 : i32
    %c0_i32_0 = arith.constant 0 : i32
    return %arg0, %c0_i32 : i32, i32
  }
}

</mosaic_0001>

<sc_bundles>
// kernel: kernel.4.cloned.1.call-start
scs
__scs_entry_jumppad:
0x0: {  	(pc) =	sbr.rel $0x88, $3  }
0x1: {  	(tag) =	ssettag $0x0;
	lr =	simm.s32 $0x1  }
0x2: {  	[smem:$0x3F9B] =	sst lr;
	_ =	strace $0xD0000000  }
0x3: {  	_ = 	snop  }
0x4: {  	_ = 	snop  }
0x5: {  	_ = 	snop  }
0x6: {  	_ = 	snop  }
0x7: {  	_ = 	snop  }
__scs_overlays_trampoline_lowered:
0x8: {  	[smem:$0x3FAA] =	sst s0  }
0x9: {  	[smem:$0x3FAB] =	sst s1  }
0xa: {  	[smem:$0x3FAC] =	sst s2  }
0xb: {  	[smem:$0x3FAD] =	sst s3  }
0xc: {  	[smem:$0x3FAE] =	sst s4  }
0xd: {  	[smem:$0x3FAF] =	sst s5  }
0xe: {  	[smem:$0x3FB0] =	sst s6  }
0xf: {  	[smem:$0x3FB1] =	sst s7  }
0x10: {  	[smem:$0x3FB2] =	sst s8  }
0x11: {  	[smem:$0x3FB3] =	sst s9;
	s0 =	simm.s32 @!p0 $0x0  }
0x12: {  	s1 =	sld [smem:$0x3F99];
	s0 =	simm.s32 @p0 $0x1  }
0x13: {  	[smem:$0x3FB4] =	sst s0;
	s0 =	simm.s32 @!p1 $0x0  }
0x14: {  	s2 =	sld [smem:$0x3F98];
	s0 =	simm.s32 @p1 $0x1  }
0x15: {  	[smem:$0x3FB5] =	sst s0;
	s0 =	simm.s32 @!p2 $0x0  }
0x16: {  	s3 =	sld [smem:$0x3FDB];
	s0 =	simm.s32 @p2 $0x1  }
0x17: {  	s4 =	simm.s32 $0x1BF5;
	[smem:$0x3FB7] =	sst s0  }
0x18: {  	s0 =	sld [smem:$0x3F9A];
	_ =	swait.ge [sflag:s4], $0x0  }
0x19: {  	s7 =	sld [smem:$0x3F9B]  }
0x1a: {  	s8 =	sadd.s32 $0xFFFFE003, lr  }
0x1b: {  	s9 =	sadd.s32 $0xFFFFFEF7, lr;
	s5 =	simm.s32 $0xFFFFFFFF;
	p2 =	slt.u32 s8, $0xFFFFF086  }
0x1c: {  	p1 =	slt.u32 s9, $0xF7A;
	s5 =	simm.s32 @!p2 $0x0  }
0x1d: {  	s5 =	simm.s32 @p1 $0x1;
	p0 =	seq.s32 s7, s2  }
0x1e: {  	s7 =	smul.u32 @!p0 $0xF7A, s2;
	p2 =	seq.s32 @!p0 s5, $0x0  }
0x1f: {  	s9 =	smul.u32 $0xF7A, s1;
	s8 =	simm.s32 @!p0 $0x1BF5;
	p2 =	por !p2, p0  }
0x20: {  	[sflag:s8] =	ssyncset.s32 @!p0 $0xFFFFF086;
	s6 =	sadd.s32 @!p0 s3, s7;
	s7 =	simm.s32 @!p0 $0x108  }
0x21: {  	s3 =	sadd.s32 s3, s9;
	s6 =	sadd.s32 @!p0 $0x88, s6;
	s7 =	simm.s32 @p2 $0x1082  }
0x22: {  	[simem:s7], [sflag:s8] =	dma.local @!p0 [hbm:s6], $0xF7A  }
0x23: {  	s9 =	sor.u32 $0xD0000000, s2;
	s6 =	simm.s32 $0x108;
	_ =	swait.ge @!p0 [sflag:s8], $0x0  }
0x24: {  	s3 =	sadd.s32 $0x88, s3;
	s6 =	simm.s32 @!p1 $0x1082;
	[sflag:s4] =	ssyncset.s32 $0xFFFFF086  }
0x25: {  	[simem:s6], [sflag:s4] =	dma.local [hbm:s3], $0xF7A  }
0x26: {  	[smem:$0x3F9B] =	sst s1;
	(tag) =	ssettag s2;
	_ =	strace s9  }
0x27: {  	s1 =	sld [smem:$0x3FAB]  }
0x28: {  	s2 =	sld [smem:$0x3FAC]  }
0x29: {  	s4 =	sld [smem:$0x3FAE]  }
0x2a: {  	p0 =	seq.s32 s5, $0x0;
	s5 =	sld [smem:$0x3FAF]  }
0x2b: {  	s6 =	sld [smem:$0x3FB0]  }
0x2c: {  	s7 =	sld [smem:$0x3FB1]  }
0x2d: {  	s3 =	simm.s32 $0x108;
	s8 =	sld [smem:$0x3FB2]  }
0x2e: {  	s3 =	simm.s32 @!p0 $0x1082;
	s9 =	sld [smem:$0x3FB3]  }
0x2f: {  	lr =	sadd.s32 s0, s3;
	s0 =	sld [smem:$0x3FAA]  }
0x30: {  	s3 =	sld [smem:$0x3FAD]  }
0x31: {  	[smem:$0x3FB6] =	sst s10  }
0x32: {  	s10 =	sld [smem:$0x3FB4];
	_ =	sdelay $0x3  }
0x33: {  	p0 =	seq.s32 s10, $0x1;
	s10 =	sld [smem:$0x3FB6];
	_ =	sdelay $0x3  }
0x34: {  	[smem:$0x3FB6] =	sst s10  }
0x35: {  	s10 =	sld [smem:$0x3FB5];
	_ =	sdelay $0x3  }
0x36: {  	p1 =	seq.s32 s10, $0x1;
	s10 =	sld [smem:$0x3FB6];
	_ =	sdelay $0x3  }
0x37: {  	[smem:$0x3FB6] =	sst s10  }
0x38: {  	s10 =	sld [smem:$0x3FB7]  }
0x39: {  	_ = 	snop;
	(pc) =	sbr.ind lr, $3  }
0x3a: {  	_ = 	snop  }
0x3b: {  	_ = 	snop  }
0x3c: {  	p2 =	seq.s32 s10, $0x1;
	s10 =	sld [smem:$0x3FB6]  }
0x3d: {  	_ =	shalt  }
0x3e: {  	_ =	shalt  }
0x3f: {  	_ =	shalt  }
0x40: {  	_ =	shalt  }
0x41: {  	_ =	shalt  }
0x42: {  	_ =	shalt  }
0x43: {  	_ =	shalt  }
0x44: {  	_ =	shalt  }
0x45: {  	_ =	shalt  }
0x46: {  	_ =	shalt  }
0x47: {  	_ =	shalt  }
0x48: {  	_ =	shalt  }
0x49: {  	_ =	shalt  }
0x4a: {  	_ =	shalt  }
0x4b: {  	_ =	shalt  }
0x4c: {  	_ =	shalt  }
0x4d: {  	_ =	shalt  }
0x4e: {  	_ =	shalt  }
0x4f: {  	_ =	shalt  }
0x50: {  	_ =	shalt  }
0x51: {  	_ =	shalt  }
0x52: {  	_ =	shalt  }
0x53: {  	_ =	shalt  }
0x54: {  	_ =	shalt  }
0x55: {  	_ =	shalt  }
0x56: {  	_ =	shalt  }
0x57: {  	_ =	shalt  }
0x58: {  	_ =	shalt  }
0x59: {  	_ =	shalt  }
0x5a: {  	_ =	shalt  }
0x5b: {  	_ =	shalt  }
0x5c: {  	_ =	shalt  }
0x5d: {  	_ =	shalt  }
0x5e: {  	_ =	shalt  }
0x5f: {  	_ =	shalt  }
0x60: {  	_ =	shalt  }
0x61: {  	_ =	shalt  }
0x62: {  	_ =	shalt  }
0x63: {  	_ =	shalt  }
0x64: {  	_ =	shalt  }
0x65: {  	_ =	shalt  }
0x66: {  	_ =	shalt  }
0x67: {  	_ =	shalt  }
0x68: {  	_ =	shalt  }
0x69: {  	_ =	shalt  }
0x6a: {  	_ =	shalt  }
0x6b: {  	_ =	shalt  }
0x6c: {  	_ =	shalt  }
0x6d: {  	_ =	shalt  }
0x6e: {  	_ =	shalt  }
0x6f: {  	_ =	shalt  }
0x70: {  	_ =	shalt  }
0x71: {  	_ =	shalt  }
0x72: {  	_ =	shalt  }
0x73: {  	_ =	shalt  }
0x74: {  	_ =	shalt  }
0x75: {  	_ =	shalt  }
0x76: {  	_ =	shalt  }
0x77: {  	_ =	shalt  }
0x78: {  	_ =	shalt  }
0x79: {  	_ =	shalt  }
0x7a: {  	_ =	shalt  }
0x7b: {  	_ =	shalt  }
0x7c: {  	_ =	shalt  }
0x7d: {  	_ =	shalt  }
0x7e: {  	_ =	shalt  }
0x7f: {  	_ =	shalt  }
0x80: {  	_ =	shalt  }
0x81: {  	_ =	shalt  }
0x82: {  	_ =	shalt  }
0x83: {  	_ =	shalt  }
0x84: {  	_ =	shalt  }
0x85: {  	_ =	shalt  }
0x86: {  	_ =	shalt  }
0x87: {  	_ =	shalt  }
.Lfunc_end0:
.L_simem_size_0:
called_computation_lowered:
.L_overlay_start_0:
0x88: {  	s2 =	sld [smem:$0x3FD9]  }
0x89: {  	s3 =	sld [smem:$0x3FFE];
	_ =	sdelay $0x1  }
0x8a: {  	s1 =	srdreg.scid  }
0x8b: {  	s0 =	sand.u32 $0x1, s1  }
0x8c: {  	s15 =	sshll.u32 s0, $0xA;
	s2 =	sadd.s32 s3, s2  }
0x8d: {  	s2 =	sadd.s32 s2, s15  }
0x8e: {  	[smem:$0x3FC2] =	sst s2  }
0x8f: {  	_ = 	snop  }
0x90: {  	s2 =	sld [smem:$0x3FD0];
	_ =	sdelay $0x2  }
0x91: {  	s4 =	simm.s32 $0xA;
	s5 =	simm.s32 $0x10;
	s16 =	sld [smem:$0x3FC4]  }
0x92: {  	[smem:s5], [sflag:s4] =	dma.local [hbm:s2], $0x1  }
0x93: {  	_ =	swait.eq [sflag:s4], $0x1  }
0x94: {  	[sflag:s4] =	ssyncset.done $0x0  }
0x95: {  	[sflag:s4] =	ssyncadd.s32 $0xFFFFFFFF  }
0x96: {  	s17 =	sld [smem:$0x15];
	(tm) =	ssettm $0x1  }
0x97: {  	s18 =	sld [smem:$0x3FFB];
	_ =	sdelay $0x3  }
0x98: {  	_ =	strace s18  }
0x99: {  	s4 =	sld [smem:$0x3FFC];
	_ =	sdelay $0x3  }
0x9a: {  	_ =	strace s4  }
0x9b: {  	s4 =	sld [smem:$0x3FFD];
	_ =	sdelay $0x3  }
0x9c: {  	_ =	strace s4  }
0x9d: {  	_ =	strace $0x8FFFFFFF  }
0x9e: {  	s19 =	sld [smem:$0x3FDB];
	_ =	sdelay $0x1  }
0x9f: {  	s20 =	simm.s32 $_scs_section_size  }
0xa0: {  	s6 =	simm.s32 $_size__tile_overlayer_lowered;
	s7 =	simm.s32 $_tile_overlayer_lowered  }
0xa1: {  	s23 =	simm.s32 $0x1BFF;
	s22 =	sshll.u32 s7, $0x1;
	s4 =	sadd.s32 s20, s19  }
0xa2: {  	s8 =	simm.s32 $0x0;
	s21 =	sshll.u32 s6, $0x1;
	s6 =	sadd.s32 s22, s4  }
0xa3: {  	[timem:s8], [sflag:s23] =	dma.local [hbm:s6], s21  }
0xa4: {  	_ =	swait.ge [sflag:s23], s21  }
0xa5: {  	s5 =	ssub.s32 $0x0, s21;
	[sflag:s23] =	ssyncset.done $0x0  }
0xa6: {  	[sflag:s23] =	ssyncadd.s32 s5;
	_ =	sdelay $0x1  }
0xa7: {  	s24 =	simm.s32 $0x1B8B  }
0xa8: {  	_ =	swait.ge [sflag:s24], $0x1  }
0xa9: {  	[sflag:s24] =	ssyncset.done $0x0  }
0xaa: {  	s25 =	simm.s32 $0x1B8E;
	[sflag:s24] =	ssyncadd.s32 $0xFFFFFFFF  }
0xab: {  	s26 =	simm.s32 $execute0_lowered;
	[smem:$0x3FD2] =	sst s25  }
0xac: {  	s5 =	sshll.u32 s26, $0x1;
	_ =	strace $0x80000046;
	[dreg:$0x1] =	wrdreg $0xFFFFFFFF  }
0xad: {  	s28 =	simm.s32 $_size_execute0_lowered;
	s4 =	sadd.s32 s4, s5;
	[dreg:$0x0] =	wrdreg $0x0  }
0xae: {  	s5 =	sshll.u32 s28, $0x1;
	[dreg:$0x2] =	wrdreg s4  }
0xaf: {  	[dreg:$0x3] =	wrdreg s5  }
0xb0: {  	[dreg:$0x4] =	wrdreg $0xC0  }
0xb1: {  	_ =	task [dreg:s8], $0x5FFFF  }
0xb2: {  	[dreg:$0x1] =	wrdreg $0xFFFFFFFF  }
0xb3: {  	[dreg:$0x0] =	wrdreg $0x60  }
0xb4: {  	[dreg:$0x2] =	wrdreg s16  }
0xb5: {  	[dreg:$0x3] =	wrdreg s17  }
0xb6: {  	[dreg:$0x4] =	wrdreg $0x9  }
0xb7: {  	_ =	task.clear_ibuf [dreg:s8], $0x5FFFF;
	_ =	strace $0x90000046  }
0xb8: {  	s29 =	simm.s32 $0x9;
	_ =	strace $0x80000048  }
0xb9: {  	_ =	swait.ge [sflag:s29], $0x1  }
0xba: {  	[sflag:s29] =	ssyncadd.s32 $0xFFFFFFFF  }
0xbb: {  	_ =	strace $0x90000048  }
0xbc: {  	_ =	sfence  }
0xbd: {  	s30 =	sld [smem:$0x0];
	_ =	sdelay $0x2  }
0xbe: {  	s31 =	sshll.u32 s1, $0xD;
	s1 =	sshrl.u32 s1, $0x2  }
0xbf: {  	s3 =	sand.u32 $0x4000, s31;
	s1 =	sadd.s32 s1, s30  }
0xc0: {  	s0 =	sor.u32 s3, s0;
	s1 =	sshll.u32 s1, $0x11  }
0xc1: {  	s0 =	sor.u32 s1, s0  }
0xc2: {  	s0 =	sadd.s32 $0x8F2B, s0  }
0xc3: {  	[sflag:s0] =	ssyncadd.remote.s32 $0x1  }
0xc4: {  	_ =	sfence.sel $0xFFFF  }
0xc5: {  	[dreg:$0x0] =	wrdreg $0xFFFFFFFF;
	(pc) =	sbr.abs _section_cstart, $3  }
0xc6: {  	[dreg:$0x1] =	wrdreg $0xFFFFFFFF  }
0xc7: {  	_ =	task.clear_ibuf [dreg:s8], $0x2FFFF;
	_ =	strace $0x9FFFFFFF  }
0xc8: {  	(tm) =	ssettm $0x7FFFFFFF  }
0xc9: {  	_ =	shalt  }
tec
execute0_lowered:
.L_overlay_start_1:
0x0: {  	(tag) =	ssettag $0x1  }
0x1: {  	s3 =	rddreg [dreg:$0x0]  }
0x2: {  	s7 =	rddreg [dreg:$0x1];
	s2 =	srdreg.scid  }
0x3: {  	s0 =	rddreg [dreg:$0x2];
	s1 =	stileid.u32;
	s4 =	sand.u32 $0x1, s2  }
0x4: {  	s2 =	simm.s32 $0x0;
	s5 =	sshll.u32 s1, $0xD;
	s6 =	sshll.u32 s4, $0x6  }
0x5: {  	[smem:$0x7FF] =	sst s2;
	s9 =	ssub.s32 $0x2, s4;
	s4 =	simm.s32 $0x200  }
0x6: {  	s8 =	sor.u32 s6, s5;
	_ =	strace $0x80000047;
	s10 =	sshrl.u32 s9, $0x1  }
0x7: {  	s5 =	simm.s32 $0x400;
	s3 =	sadd.s32 s3, s8;
	s9 =	ssub.s32 s9, s10  }
0x8: {  	[tilespmem:s2], [sflag:$0x1] =	stream.strided.gather [hbm4b:s3+s4], $0x8000, s5, s4, $0x38;
	[tilespmem:$0x8000] =	vst v63  }
0x9: {  	s6 =	simm.s32 $0x1;
	s9 =	smax.u32 s9, $0x1  }
0xa: {  	_ =	swait.ge [sflag:s6], $0x8000;
	p0 =	sne.s32 s9, $0x1  }
.Ltmp0:
0xb: {  	[sflag:s6] =	ssyncset.done $0x0;
	(pc) =	sbr.rel @!p0 .LBB2_2-.Ltmp0, $4  }
0xc: {  	s7 =	sadd.s32 s7, s8;
	s8 =	simm.s32 $0x2;
	[sflag:s6] =	ssyncadd.s32 $0xFFFF8000  }
0xd: {  	[hbm4b:s7+s4] =	stream.strided.scatter [tilespmem:s2], [sflag:$0x2], $0x8000, s5, s4, $0x38;
	[tilespmem:$0x8000] =	vst v63  }
0xe: {  	_ =	swait.ge [sflag:s8], $0x8000  }
0xf: {  	s9 =	sadd.s32 $0xFFFFFFFF, s9;
	[sflag:s8] =	ssyncset.done $0x0  }
.LBB2_1:
0x10: {  	p0 =	sne.s32 s9, $0x1;
	s9 =	sadd.s32 $0xFFFFFFFF, s9;
	[sflag:s8] =	ssyncadd.s32 $0xFFFF8000  }
0x11: {  	[tilespmem:s2], [sflag:$0x1] =	stream.strided.gather [hbm4b:s3+s4], $0x8000, s5, s4, $0x38;
	[tilespmem:$0x8000] =	vst v63  }
0x12: {  	_ =	swait.ge [sflag:s6], $0x8000  }
.Ltmp1:
0x13: {  	[sflag:s6] =	ssyncset.done $0x0;
	(pc) =	sbr.rel @p0 .LBB2_1-.Ltmp1, $4  }
0x14: {  	[sflag:s6] =	ssyncadd.s32 $0xFFFF8000  }
0x15: {  	[hbm4b:s7+s4] =	stream.strided.scatter [tilespmem:s2], [sflag:$0x2], $0x8000, s5, s4, $0x38;
	[tilespmem:$0x8000] =	vst v63  }
0x16: {  	_ =	swait.ge [sflag:s8], $0x8000  }
0x17: {  	[sflag:s8] =	ssyncset.done $0x0  }
.LBB2_2:
0x18: {  	[sflag:s8] =	ssyncadd.s32 $0xFFFF8000  }
0x19: {  	_ =	sfence.sel $0x180000  }
0x1a: {  	[bflag:$0x0] =	sbarrier.arrive $0xFFFF  }
0x1b: {  	p0 =	sne.s32 s1, $0x0;
	_ =	strace $0x90000047  }
0x1c: {  	s0 =	sadd.s32 @!p0 $0x100000, s0;
	[bflag:$0x2] =	sbarrier.arrive $0xFFFF  }
0x1d: {  	[sflag:s0] =	ssyncadd.tile.s32 @!p0 $0x1;
	_ =	shalt  }
.Lfunc_end2:
_tile_overlayer_lowered:
.L_overlay_start_2:
0x1e: {  	(tag) =	ssettag $0x2  }
0x1f: {  	s0 =	rddreg [dreg:$0x0];
	s2 =	stileid.u32  }
0x20: {  	s1 =	rddreg [dreg:$0x1];
	p0 =	sne.s32 s2, $0x0  }
0x21: {  	s3 =	rddreg [dreg:$0x2];
	[bflag:$0x3] =	sbarrier.arrive $0xFFFF;
	s2 =	simm.s32 @!p0 $0x1C03  }
0x22: {  	[timem:s3], [sflag:s2] =	dma.local @!p0 [hbm:s0], s1  }
0x23: {  	s0 =	simm.s32 @!p0 $0x3  }
0x24: {  	_ =	swait.ge @!p0 [sflag:s0], s1  }
0x25: {  	s1 =	ssub.s32 @!p0 $0x0, s1;
	[sflag:s0] =	ssyncset.done @!p0 $0x0  }
0x26: {  	[sflag:s0] =	ssyncadd.s32 @!p0 s1  }
0x27: {  	[bflag:$0x3] =	sbarrier.arrive $0xFFFF  }
0x28: {  	_ =	shalt  }

</sc_bundles>
